<compile_context>
chip_gen: v7x
topology: tpu7x:2x2x1
jax: 0.10.2.dev20260603
libtpu: 0.0.44.dev20260713+nightly
codegen_flags: <defaults>
</compile_context>

<pallas_src>
import functools

import jax
import jax.numpy as jnp
from jax import lax
from jax.experimental import pallas as pl
from jax.experimental.pallas import tpu as pltpu
from jax.experimental.pallas import tpu_sc as plsc

_ALPHA = 0.3
_LAM = 3.0
_B = 4096
_C = 1000
_V = 50000
_L = 512
_LANES = 16

_NC = 2
_NS = 16
_NW = _NC * _NS
_C_PER_W = 32


@functools.cache
def _make_gather():
    mesh = plsc.VectorSubcoreMesh(core_axis_name="c", subcore_axis_name="s")

    @functools.partial(
        pl.kernel,
        mesh=mesh,
        out_type=jax.ShapeDtypeStruct((_C, _B), jnp.float32),
        scratch_types=[
            pltpu.VMEM((_B,), jnp.int32),
            pltpu.VMEM((_V,), jnp.float32),
            pltpu.VMEM((_V,), jnp.float32),
            pltpu.VMEM((_B,), jnp.float32),
            pltpu.SemaphoreType.DMA,
            pltpu.SemaphoreType.DMA,
        ],
        compiler_params=pltpu.CompilerParams(needs_layout_passes=False),
    )
    def gather_cols(tableT_hbm, idx_hbm, outT_hbm,
                    idx_v, row_a, row_b, g_v, sem_a, sem_b):
        wid = lax.axis_index("s") * _NC + lax.axis_index("c")
        c_lo = wid * _C_PER_W
        c_hi = jnp.minimum(c_lo + _C_PER_W, _C)
        pltpu.sync_copy(idx_hbm, idx_v)

        def gather_to(row_v, c):
            def per_vec(k, _):
                iv = idx_v[pl.ds(k * _LANES, _LANES)]
                g_v[pl.ds(k * _LANES, _LANES)] = plsc.load_gather(
                    row_v, [iv])
                return 0

            lax.fori_loop(0, _B // _LANES, per_vec, 0)
            pltpu.sync_copy(g_v, outT_hbm.at[c])

        pltpu.async_copy(tableT_hbm.at[c_lo], row_a, sem_a)

        def per_pair(p, _):
            c = c_lo + 2 * p
            pltpu.async_copy(tableT_hbm.at[c + 1], row_b, sem_b)
            pltpu.make_async_copy(tableT_hbm.at[c], row_a, sem_a).wait()
            gather_to(row_a, c)

            @pl.when(c + 2 < c_hi)
            def _():
                pltpu.async_copy(tableT_hbm.at[c + 2], row_a, sem_a)

            pltpu.make_async_copy(tableT_hbm.at[c + 1], row_b, sem_b).wait()
            gather_to(row_b, c + 1)
            return 0

        lax.fori_loop(0, (c_hi - c_lo) // 2, per_pair, 0)

    return gather_cols


def _loss_body(outT_ref, gT_ref, lab_ref, acc_ref):
    i = pl.program_id(0)
    logits = outT_ref[...]
    m = jnp.max(logits, axis=0, keepdims=True)
    e = jnp.exp(logits - m)
    z = jnp.sum(e, axis=0, keepdims=True)
    y = jnp.clip(e / z, 1e-4, 1.0 - 1e-4)
    sy = jnp.sum(y, axis=0, keepdims=True)
    d2 = jnp.sum(y * y, axis=0, keepdims=True)
    d1 = jnp.sum(gT_ref[...] * y, axis=0, keepdims=True)
    s = _ALPHA * d1 + (1.0 - _ALPHA) * (d2 / sy)
    elr = jnp.log(1.0 - s)
    labs = lab_ref[...]
    cls = lax.broadcasted_iota(jnp.int32, (_C, _L), 0)
    lab_logit = jnp.sum(jnp.where(cls == labs, logits, 0.0), axis=0,
                        keepdims=True)
    logp = lab_logit - (m + jnp.log(z))
    part = jnp.sum(_LAM * elr - logp, keepdims=True)

    @pl.when(i == 0)
    def _():
        acc_ref[...] = jnp.zeros((1, 1), jnp.float32)

    acc_ref[...] += part

    @pl.when(i == pl.num_programs(0) - 1)
    def _():
        acc_ref[...] = acc_ref[...] * (1.0 / _B)


_loss_call = pl.pallas_call(
    _loss_body,
    grid=(_B // _L,),
    in_specs=[
        pl.BlockSpec((_C, _L), lambda i: (0, i)),
        pl.BlockSpec((_C, _L), lambda i: (0, i)),
        pl.BlockSpec((1, _L), lambda i: (0, i)),
    ],
    out_specs=pl.BlockSpec((1, 1), lambda i: (0, 0)),
    out_shape=jax.ShapeDtypeStruct((1, 1), jnp.float32),
)


def kernel(index, output, label, target):
    idx = index.astype(jnp.int32)
    gT = _make_gather()(target.T, idx)
    lab2 = label.astype(jnp.int32).reshape(1, _B)
    loss = _loss_call(output.T, gT, lab2)
    return loss[0, 0]

# --- scband reference (transcript-rebuilt; emitter-appended) ---
"""Pipeline reference for scband-elr-loss-38422777430525 (READ-ONLY COPY).

The authoritative reference and input builder live on the scoring server;
editing this copy changes nothing except your own understanding.
"""

import jax, jax.numpy as jnp
import numpy as np

NUM_EXAMP = 50000
NUM_CLASSES = 1000
ALPHA = 0.3
LAM = 3.0
BATCH = 4096


def setup_inputs(seed: int = 0) -> dict:
    key = jax.random.key(seed)
    k1, k2, k3, k4 = jax.random.split(key, 4)
    index = jax.random.randint(k1, (BATCH,), 0, NUM_EXAMP).astype(jnp.int64)
    output = jax.random.normal(k2, (BATCH, NUM_CLASSES), dtype=jnp.float32)
    label = jax.random.randint(k3, (BATCH,), 0, NUM_CLASSES).astype(jnp.int64)
    u = jax.random.uniform(k4, (NUM_EXAMP, NUM_CLASSES), dtype=jnp.float32)
    target = u / u.sum(axis=1, keepdims=True)  # running-average buffer, rows sum to 1
    return {"index": index, "output": output, "label": label, "target": target}


def reference(index, output, label, target):
    # y_pred = softmax(output), clamped
    y_pred = jax.nn.softmax(output, axis=1)
    y_pred = jnp.clip(y_pred, 0.0001, 1.0 - 0.0001)
    y_pred_ = jax.lax.stop_gradient(y_pred)
    # EMA update of the target buffer at gathered rows (scatter-overwrite)
    gathered = jnp.take(target, index, axis=0)
    new_rows = ALPHA * gathered + (1.0 - ALPHA) * (y_pred_ / y_pred_.sum(axis=1, keepdims=True))
    target_new = target.at[index].set(new_rows)
    # cross-entropy with integer labels
    log_probs = jax.nn.log_softmax(output, axis=1)
    ce_loss = -jnp.mean(jnp.take_along_axis(log_probs, label[:, None], axis=1)[:, 0])
    # ELR regularizer on the freshly updated rows (gather)
    t_rows = jnp.take(target_new, index, axis=0)
    elr_reg = jnp.mean(jnp.log(1.0 - jnp.sum(t_rows * y_pred, axis=1)))
    final_loss = ce_loss + LAM * elr_reg
    return final_loss

if __name__ == "__main__":
    import jax
    _d = setup_inputs()
    print(jax.jit(kernel)(*tuple(_d.values())))

</pallas_src>

<mosaic_0001>
#map = affine_map<(d0, d1) -> (0, 0)>
#map1 = affine_map<(d0, d1) -> (0)>
module attributes {stable_mosaic.version = 14 : i64} {
  func.func @gather_cols(%arg0: i32, %arg1: i32, %arg2: memref<1000x50000xf32, #tpu.memory_space<hbm>>, %arg3: memref<4096xi32, #tpu.memory_space<hbm>>, %arg4: memref<1000x4096xf32, #tpu.memory_space<hbm>>, %arg5: memref<4096xi32, #tpu.memory_space<vmem>>, %arg6: memref<50000xf32, #tpu.memory_space<vmem>>, %arg7: memref<50000xf32, #tpu.memory_space<vmem>>, %arg8: memref<4096xf32, #tpu.memory_space<vmem>>, %arg9: memref<!tpu.dma_semaphore, #tpu.memory_space<semaphore_mem>>, %arg10: memref<!tpu.dma_semaphore, #tpu.memory_space<semaphore_mem>>) attributes {dimension_semantics = [#tpu.dimension_semantics<core_parallel>, #tpu.dimension_semantics<subcore_parallel>], iteration_bounds = array<i64: 2, 16>, scalar_prefetch = 0 : i64, scratch_operands = 6 : i64, tpu.core_type = #tpu.core_type<sc_vector_subcore>, window_params = [{transform_indices = #map}, {transform_indices = #map1}, {transform_indices = #map}]} {
    %mul3A = arith.constant 2 : i32
    %mul3A_0 = arith.muli %arg1, %mul3A : i32
    %add3A = arith.addi %mul3A_0, %arg0 : i32
    %mul3A_1 = arith.constant 32 : i32
    %mul3A_2 = arith.muli %add3A, %mul3A_1 : i32
    %add3A_3 = arith.constant 32 : i32
    %add3A_4 = arith.addi %mul3A_2, %add3A_3 : i32
    %min3A = arith.constant 1000 : i32
    %min3A_5 = arith.minsi %add3A_4, %min3A : i32
    "tpu.region"() ({
      %run_scoped3A = tpu.sem_alloc : memref<!tpu.dma_semaphore, #tpu.memory_space<semaphore_mem>>
      tpu.enqueue_dma source(%arg3 : memref<4096xi32, #tpu.memory_space<hbm>>) target(%arg5 : memref<4096xi32, #tpu.memory_space<vmem>>) target_semaphore(%run_scoped3A : memref<!tpu.dma_semaphore, #tpu.memory_space<semaphore_mem>>)
      tpu.wait_dma2 semaphore(%run_scoped3A : memref<!tpu.dma_semaphore, #tpu.memory_space<semaphore_mem>>) src(%arg3 : memref<4096xi32, #tpu.memory_space<hbm>>) dst(%arg5 : memref<4096xi32, #tpu.memory_space<vmem>>)
      tpu.yield
    }) : () -> ()
    %dma_start3A = arith.constant 0 : i32
    %dma_start3A_6 = tpu.memref_slice %arg2[%mul3A_2, %dma_start3A] : memref<1000x50000xf32, #tpu.memory_space<hbm>> -> memref<1x50000xf32, #tpu.memory_space<hbm>>
    %dma_start3A_7 = tpu.memref_squeeze %dma_start3A_6 : memref<1x50000xf32, #tpu.memory_space<hbm>> -> memref<50000xf32, #tpu.memory_space<hbm>>
    %dma_start3A_8 = arith.constant 0 : i32
    %dma_start3A_9 = tpu.memref_slice %arg2[%mul3A_2, %dma_start3A_8] : memref<1000x50000xf32, #tpu.memory_space<hbm>> -> memref<1x50000xf32, #tpu.memory_space<hbm>>
    %dma_start3A_10 = tpu.memref_squeeze %dma_start3A_9 : memref<1x50000xf32, #tpu.memory_space<hbm>> -> memref<50000xf32, #tpu.memory_space<hbm>>
    tpu.enqueue_dma source(%dma_start3A_10 : memref<50000xf32, #tpu.memory_space<hbm>>) target(%arg6 : memref<50000xf32, #tpu.memory_space<vmem>>) target_semaphore(%arg9 : memref<!tpu.dma_semaphore, #tpu.memory_space<semaphore_mem>>)
    %sub3A = arith.subi %min3A_5, %mul3A_2 : i32
    %jit3A = arith.constant 2 : i32
    %div3A = arith.divsi %sub3A, %jit3A : i32
    %sign3A = arith.constant 0 : i32
    %sign3A_11 = arith.cmpi sgt, %sub3A, %sign3A : i32
    %sign3A_12 = arith.extui %sign3A_11 : i1 to i32
    %sign3A_13 = arith.constant 0 : i32
    %sign3A_14 = arith.cmpi slt, %sub3A, %sign3A_13 : i32
    %sign3A_15 = arith.extui %sign3A_14 : i1 to i32
    %sign3A_16 = arith.subi %sign3A_12, %sign3A_15 : i32
    %sign3A_17 = arith.constant 0 : i32
    %sign3A_18 = arith.cmpi sgt, %jit3A, %sign3A_17 : i32
    %sign3A_19 = arith.extui %sign3A_18 : i1 to i32
    %sign3A_20 = arith.constant 0 : i32
    %sign3A_21 = arith.cmpi slt, %jit3A, %sign3A_20 : i32
    %sign3A_22 = arith.extui %sign3A_21 : i1 to i32
    %sign3A_23 = arith.subi %sign3A_19, %sign3A_22 : i32
    %ne3A = arith.cmpi ne, %sign3A_16, %sign3A_23 : i32
    %rem3A = arith.remsi %sub3A, %jit3A : i32
    %ne3A_24 = arith.constant 0 : i32
    %ne3A_25 = arith.cmpi ne, %rem3A, %ne3A_24 : i32
    %and3A = arith.andi %ne3A, %ne3A_25 : i1
    %sub3A_26 = arith.constant 1 : i32
    %sub3A_27 = arith.subi %div3A, %sub3A_26 : i32
    %select_n3A = arith.select %and3A, %sub3A_27, %div3A : i32
    %while3A = arith.constant 0 : i32
    %while3A_28 = arith.constant 0 : i32
    %while3A_29 = arith.subi %select_n3A, %while3A : i32
    %while3A_30 = arith.addi %while3A, %while3A_29 : i32
    %while3A_31 = arith.constant 1 : i32
    %while3A_32 = arith.divsi %while3A_29, %while3A_31 : i32
    %while3A_33 = arith.muli %while3A_32, %while3A_31 : i32
    %while3A_34 = arith.addi %while3A, %while3A_33 : i32
    %while3A_35 = arith.constant 1 : i32
    %while3A_36 = scf.for %while3A_39 = %while3A to %while3A_34 step %while3A_35 iter_args(%while3A_40 = %while3A_28) -> (i32)  : i32 {
      %mul3A_41 = arith.constant 2 : i32
      %mul3A_42 = arith.muli %mul3A_41, %while3A_39 : i32
      %add3A_43 = arith.addi %mul3A_2, %mul3A_42 : i32
      %add3A_44 = arith.constant 1 : i32
      %add3A_45 = arith.addi %add3A_43, %add3A_44 : i32
      %dma_start3A_46 = arith.constant 0 : i32
      %dma_start3A_47 = tpu.memref_slice %arg2[%add3A_45, %dma_start3A_46] : memref<1000x50000xf32, #tpu.memory_space<hbm>> -> memref<1x50000xf32, #tpu.memory_space<hbm>>
      %dma_start3A_48 = tpu.memref_squeeze %dma_start3A_47 : memref<1x50000xf32, #tpu.memory_space<hbm>> -> memref<50000xf32, #tpu.memory_space<hbm>>
      %dma_start3A_49 = arith.constant 0 : i32
      %dma_start3A_50 = tpu.memref_slice %arg2[%add3A_45, %dma_start3A_49] : memref<1000x50000xf32, #tpu.memory_space<hbm>> -> memref<1x50000xf32, #tpu.memory_space<hbm>>
      %dma_start3A_51 = tpu.memref_squeeze %dma_start3A_50 : memref<1x50000xf32, #tpu.memory_space<hbm>> -> memref<50000xf32, #tpu.memory_space<hbm>>
      tpu.enqueue_dma source(%dma_start3A_51 : memref<50000xf32, #tpu.memory_space<hbm>>) target(%arg7 : memref<50000xf32, #tpu.memory_space<vmem>>) target_semaphore(%arg10 : memref<!tpu.dma_semaphore, #tpu.memory_space<semaphore_mem>>)
      %dma_wait3A = arith.constant 0 : i32
      %dma_wait3A_52 = tpu.memref_slice %arg2[%add3A_43, %dma_wait3A] : memref<1000x50000xf32, #tpu.memory_space<hbm>> -> memref<1x50000xf32, #tpu.memory_space<hbm>>
      %dma_wait3A_53 = tpu.memref_squeeze %dma_wait3A_52 : memref<1x50000xf32, #tpu.memory_space<hbm>> -> memref<50000xf32, #tpu.memory_space<hbm>>
      %dma_wait3A_54 = arith.constant 0 : i32
      %dma_wait3A_55 = tpu.memref_slice %arg2[%add3A_43, %dma_wait3A_54] : memref<1000x50000xf32, #tpu.memory_space<hbm>> -> memref<1x50000xf32, #tpu.memory_space<hbm>>
      %dma_wait3A_56 = tpu.memref_squeeze %dma_wait3A_55 : memref<1x50000xf32, #tpu.memory_space<hbm>> -> memref<50000xf32, #tpu.memory_space<hbm>>
      tpu.wait_dma2 semaphore(%arg9 : memref<!tpu.dma_semaphore, #tpu.memory_space<semaphore_mem>>) src(%dma_wait3A_56 : memref<50000xf32, #tpu.memory_space<hbm>>) dst(%arg6 : memref<50000xf32, #tpu.memory_space<vmem>>)
      %scan3A = arith.constant 0 : i32
      %scan3A_57 = arith.constant 0 : i32
      %scan3A_58 = arith.constant 256 : i32
      %scan3A_59 = arith.addi %scan3A_57, %scan3A_58 : i32
      %scan3A_60 = arith.constant 1 : i32
      %scan3A_61 = scf.for %scan3A_84 = %scan3A_57 to %scan3A_59 step %scan3A_60 iter_args(%scan3A_85 = %scan3A) -> (i32)  : i32 {
        %mul3A_86 = arith.constant 16 : i32
        %mul3A_87 = arith.muli %scan3A_84, %mul3A_86 : i32
        %get3A = arith.index_cast %mul3A_87 : i32 to index
        %get3A_88 = tpu.vector_load %arg5[%get3A] {strides = array<i32>} : memref<4096xi32, #tpu.memory_space<vmem>>, vector<16xi32>,
        %gather3A = tpu.vector_load_idx %arg6[%get3A_88] : memref<50000xf32, #tpu.memory_space<vmem>>[vector<16xi32>], vector<16xf32>,
        %mul3A_89 = arith.constant 16 : i32
        %mul3A_90 = arith.muli %scan3A_84, %mul3A_89 : i32
        %swap3A = arith.index_cast %mul3A_90 : i32 to index
        %swap3A_91 = tpu.vector_load %arg8[%swap3A] {strides = array<i32>} : memref<4096xf32, #tpu.memory_space<vmem>>, vector<16xf32>,
        tpu.vector_store %arg8[%swap3A], %gather3A {strides = array<i32>} : memref<4096xf32, #tpu.memory_space<vmem>>, vector<16xf32>,
        %scan3A_92 = arith.constant 0 : i32
        scf.yield %scan3A_92 : i32
      }
      %scan3A_62 = arith.constant 256 : i32
      "tpu.region"() ({
        %run_scoped3A = tpu.sem_alloc : memref<!tpu.dma_semaphore, #tpu.memory_space<semaphore_mem>>
        %dma_start3A_84 = arith.constant 0 : i32
        %dma_start3A_85 = tpu.memref_slice %arg4[%add3A_43, %dma_start3A_84] : memref<1000x4096xf32, #tpu.memory_space<hbm>> -> memref<1x4096xf32, #tpu.memory_space<hbm>>
        %dma_start3A_86 = tpu.memref_squeeze %dma_start3A_85 : memref<1x4096xf32, #tpu.memory_space<hbm>> -> memref<4096xf32, #tpu.memory_space<hbm>>
        %dma_start3A_87 = arith.constant 0 : i32
        %dma_start3A_88 = tpu.memref_slice %arg4[%add3A_43, %dma_start3A_87] : memref<1000x4096xf32, #tpu.memory_space<hbm>> -> memref<1x4096xf32, #tpu.memory_space<hbm>>
        %dma_start3A_89 = tpu.memref_squeeze %dma_start3A_88 : memref<1x4096xf32, #tpu.memory_space<hbm>> -> memref<4096xf32, #tpu.memory_space<hbm>>
        tpu.enqueue_dma source(%arg8 : memref<4096xf32, #tpu.memory_space<vmem>>) target(%dma_start3A_89 : memref<4096xf32, #tpu.memory_space<hbm>>) target_semaphore(%run_scoped3A : memref<!tpu.dma_semaphore, #tpu.memory_space<semaphore_mem>>)
        %dma_wait3A_90 = arith.constant 0 : i32
        %dma_wait3A_91 = tpu.memref_slice %arg4[%add3A_43, %dma_wait3A_90] : memref<1000x4096xf32, #tpu.memory_space<hbm>> -> memref<1x4096xf32, #tpu.memory_space<hbm>>
        %dma_wait3A_92 = tpu.memref_squeeze %dma_wait3A_91 : memref<1x4096xf32, #tpu.memory_space<hbm>> -> memref<4096xf32, #tpu.memory_space<hbm>>
        %dma_wait3A_93 = arith.constant 0 : i32
        %dma_wait3A_94 = tpu.memref_slice %arg4[%add3A_43, %dma_wait3A_93] : memref<1000x4096xf32, #tpu.memory_space<hbm>> -> memref<1x4096xf32, #tpu.memory_space<hbm>>
        %dma_wait3A_95 = tpu.memref_squeeze %dma_wait3A_94 : memref<1x4096xf32, #tpu.memory_space<hbm>> -> memref<4096xf32, #tpu.memory_space<hbm>>
        tpu.wait_dma2 semaphore(%run_scoped3A : memref<!tpu.dma_semaphore, #tpu.memory_space<semaphore_mem>>) src(%arg8 : memref<4096xf32, #tpu.memory_space<vmem>>) dst(%dma_wait3A_95 : memref<4096xf32, #tpu.memory_space<hbm>>)
        tpu.yield
      }) : () -> ()
      %add3A_63 = arith.constant 2 : i32
      %add3A_64 = arith.addi %add3A_43, %add3A_63 : i32
      %lt3A = arith.cmpi slt, %add3A_64, %min3A_5 : i32
      %convert_element_type3A = arith.extui %lt3A : i1 to i32
      %cond3A = arith.constant 0 : i32
      %cond3A_65 = arith.cmpi ne, %convert_element_type3A, %cond3A : i32
      scf.if %cond3A_65 {
        %add3A_84 = arith.constant 2 : i32
        %add3A_85 = arith.addi %add3A_43, %add3A_84 : i32
        %dma_start3A_86 = arith.constant 0 : i32
        %dma_start3A_87 = tpu.memref_slice %arg2[%add3A_85, %dma_start3A_86] : memref<1000x50000xf32, #tpu.memory_space<hbm>> -> memref<1x50000xf32, #tpu.memory_space<hbm>>
        %dma_start3A_88 = tpu.memref_squeeze %dma_start3A_87 : memref<1x50000xf32, #tpu.memory_space<hbm>> -> memref<50000xf32, #tpu.memory_space<hbm>>
        %dma_start3A_89 = arith.constant 0 : i32
        %dma_start3A_90 = tpu.memref_slice %arg2[%add3A_85, %dma_start3A_89] : memref<1000x50000xf32, #tpu.memory_space<hbm>> -> memref<1x50000xf32, #tpu.memory_space<hbm>>
        %dma_start3A_91 = tpu.memref_squeeze %dma_start3A_90 : memref<1x50000xf32, #tpu.memory_space<hbm>> -> memref<50000xf32, #tpu.memory_space<hbm>>
        tpu.enqueue_dma source(%dma_start3A_91 : memref<50000xf32, #tpu.memory_space<hbm>>) target(%arg6 : memref<50000xf32, #tpu.memory_space<vmem>>) target_semaphore(%arg9 : memref<!tpu.dma_semaphore, #tpu.memory_space<semaphore_mem>>)
      } else {
      }
      %add3A_66 = arith.constant 1 : i32
      %add3A_67 = arith.addi %add3A_43, %add3A_66 : i32
      %dma_wait3A_68 = arith.constant 0 : i32
      %dma_wait3A_69 = tpu.memref_slice %arg2[%add3A_67, %dma_wait3A_68] : memref<1000x50000xf32, #tpu.memory_space<hbm>> -> memref<1x50000xf32, #tpu.memory_space<hbm>>
      %dma_wait3A_70 = tpu.memref_squeeze %dma_wait3A_69 : memref<1x50000xf32, #tpu.memory_space<hbm>> -> memref<50000xf32, #tpu.memory_space<hbm>>
      %dma_wait3A_71 = arith.constant 0 : i32
      %dma_wait3A_72 = tpu.memref_slice %arg2[%add3A_67, %dma_wait3A_71] : memref<1000x50000xf32, #tpu.memory_space<hbm>> -> memref<1x50000xf32, #tpu.memory_space<hbm>>
      %dma_wait3A_73 = tpu.memref_squeeze %dma_wait3A_72 : memref<1x50000xf32, #tpu.memory_space<hbm>> -> memref<50000xf32, #tpu.memory_space<hbm>>
      tpu.wait_dma2 semaphore(%arg10 : memref<!tpu.dma_semaphore, #tpu.memory_space<semaphore_mem>>) src(%dma_wait3A_73 : memref<50000xf32, #tpu.memory_space<hbm>>) dst(%arg7 : memref<50000xf32, #tpu.memory_space<vmem>>)
      %add3A_74 = arith.constant 1 : i32
      %add3A_75 = arith.addi %add3A_43, %add3A_74 : i32
      %scan3A_76 = arith.constant 0 : i32
      %scan3A_77 = arith.constant 0 : i32
      %scan3A_78 = arith.constant 256 : i32
      %scan3A_79 = arith.addi %scan3A_77, %scan3A_78 : i32
      %scan3A_80 = arith.constant 1 : i32
      %scan3A_81 = scf.for %scan3A_84 = %scan3A_77 to %scan3A_79 step %scan3A_80 iter_args(%scan3A_85 = %scan3A_76) -> (i32)  : i32 {
        %mul3A_86 = arith.constant 16 : i32
        %mul3A_87 = arith.muli %scan3A_84, %mul3A_86 : i32
        %get3A = arith.index_cast %mul3A_87 : i32 to index
        %get3A_88 = tpu.vector_load %arg5[%get3A] {strides = array<i32>} : memref<4096xi32, #tpu.memory_space<vmem>>, vector<16xi32>,
        %gather3A = tpu.vector_load_idx %arg7[%get3A_88] : memref<50000xf32, #tpu.memory_space<vmem>>[vector<16xi32>], vector<16xf32>,
        %mul3A_89 = arith.constant 16 : i32
        %mul3A_90 = arith.muli %scan3A_84, %mul3A_89 : i32
        %swap3A = arith.index_cast %mul3A_90 : i32 to index
        %swap3A_91 = tpu.vector_load %arg8[%swap3A] {strides = array<i32>} : memref<4096xf32, #tpu.memory_space<vmem>>, vector<16xf32>,
        tpu.vector_store %arg8[%swap3A], %gather3A {strides = array<i32>} : memref<4096xf32, #tpu.memory_space<vmem>>, vector<16xf32>,
        %scan3A_92 = arith.constant 0 : i32
        scf.yield %scan3A_92 : i32
      }
      %scan3A_82 = arith.constant 256 : i32
      "tpu.region"() ({
        %run_scoped3A = tpu.sem_alloc : memref<!tpu.dma_semaphore, #tpu.memory_space<semaphore_mem>>
        %dma_start3A_84 = arith.constant 0 : i32
        %dma_start3A_85 = tpu.memref_slice %arg4[%add3A_75, %dma_start3A_84] : memref<1000x4096xf32, #tpu.memory_space<hbm>> -> memref<1x4096xf32, #tpu.memory_space<hbm>>
        %dma_start3A_86 = tpu.memref_squeeze %dma_start3A_85 : memref<1x4096xf32, #tpu.memory_space<hbm>> -> memref<4096xf32, #tpu.memory_space<hbm>>
        %dma_start3A_87 = arith.constant 0 : i32
        %dma_start3A_88 = tpu.memref_slice %arg4[%add3A_75, %dma_start3A_87] : memref<1000x4096xf32, #tpu.memory_space<hbm>> -> memref<1x4096xf32, #tpu.memory_space<hbm>>
        %dma_start3A_89 = tpu.memref_squeeze %dma_start3A_88 : memref<1x4096xf32, #tpu.memory_space<hbm>> -> memref<4096xf32, #tpu.memory_space<hbm>>
        tpu.enqueue_dma source(%arg8 : memref<4096xf32, #tpu.memory_space<vmem>>) target(%dma_start3A_89 : memref<4096xf32, #tpu.memory_space<hbm>>) target_semaphore(%run_scoped3A : memref<!tpu.dma_semaphore, #tpu.memory_space<semaphore_mem>>)
        %dma_wait3A_90 = arith.constant 0 : i32
        %dma_wait3A_91 = tpu.memref_slice %arg4[%add3A_75, %dma_wait3A_90] : memref<1000x4096xf32, #tpu.memory_space<hbm>> -> memref<1x4096xf32, #tpu.memory_space<hbm>>
        %dma_wait3A_92 = tpu.memref_squeeze %dma_wait3A_91 : memref<1x4096xf32, #tpu.memory_space<hbm>> -> memref<4096xf32, #tpu.memory_space<hbm>>
        %dma_wait3A_93 = arith.constant 0 : i32
        %dma_wait3A_94 = tpu.memref_slice %arg4[%add3A_75, %dma_wait3A_93] : memref<1000x4096xf32, #tpu.memory_space<hbm>> -> memref<1x4096xf32, #tpu.memory_space<hbm>>
        %dma_wait3A_95 = tpu.memref_squeeze %dma_wait3A_94 : memref<1x4096xf32, #tpu.memory_space<hbm>> -> memref<4096xf32, #tpu.memory_space<hbm>>
        tpu.wait_dma2 semaphore(%run_scoped3A : memref<!tpu.dma_semaphore, #tpu.memory_space<semaphore_mem>>) src(%arg8 : memref<4096xf32, #tpu.memory_space<vmem>>) dst(%dma_wait3A_95 : memref<4096xf32, #tpu.memory_space<hbm>>)
        tpu.yield
      }) : () -> ()
      %while3A_83 = arith.constant 0 : i32
      scf.yield %while3A_83 : i32
    }
    %while3A_37 = arith.constant 1 : i32
    %while3A_38 = scf.for %while3A_39 = %while3A_34 to %while3A_30 step %while3A_37 iter_args(%while3A_40 = %while3A_36) -> (i32)  : i32 {
      %mul3A_41 = arith.constant 2 : i32
      %mul3A_42 = arith.muli %mul3A_41, %while3A_39 : i32
      %add3A_43 = arith.addi %mul3A_2, %mul3A_42 : i32
      %add3A_44 = arith.constant 1 : i32
      %add3A_45 = arith.addi %add3A_43, %add3A_44 : i32
      %dma_start3A_46 = arith.constant 0 : i32
      %dma_start3A_47 = tpu.memref_slice %arg2[%add3A_45, %dma_start3A_46] : memref<1000x50000xf32, #tpu.memory_space<hbm>> -> memref<1x50000xf32, #tpu.memory_space<hbm>>
      %dma_start3A_48 = tpu.memref_squeeze %dma_start3A_47 : memref<1x50000xf32, #tpu.memory_space<hbm>> -> memref<50000xf32, #tpu.memory_space<hbm>>
      %dma_start3A_49 = arith.constant 0 : i32
      %dma_start3A_50 = tpu.memref_slice %arg2[%add3A_45, %dma_start3A_49] : memref<1000x50000xf32, #tpu.memory_space<hbm>> -> memref<1x50000xf32, #tpu.memory_space<hbm>>
      %dma_start3A_51 = tpu.memref_squeeze %dma_start3A_50 : memref<1x50000xf32, #tpu.memory_space<hbm>> -> memref<50000xf32, #tpu.memory_space<hbm>>
      tpu.enqueue_dma source(%dma_start3A_51 : memref<50000xf32, #tpu.memory_space<hbm>>) target(%arg7 : memref<50000xf32, #tpu.memory_space<vmem>>) target_semaphore(%arg10 : memref<!tpu.dma_semaphore, #tpu.memory_space<semaphore_mem>>)
      %dma_wait3A = arith.constant 0 : i32
      %dma_wait3A_52 = tpu.memref_slice %arg2[%add3A_43, %dma_wait3A] : memref<1000x50000xf32, #tpu.memory_space<hbm>> -> memref<1x50000xf32, #tpu.memory_space<hbm>>
      %dma_wait3A_53 = tpu.memref_squeeze %dma_wait3A_52 : memref<1x50000xf32, #tpu.memory_space<hbm>> -> memref<50000xf32, #tpu.memory_space<hbm>>
      %dma_wait3A_54 = arith.constant 0 : i32
      %dma_wait3A_55 = tpu.memref_slice %arg2[%add3A_43, %dma_wait3A_54] : memref<1000x50000xf32, #tpu.memory_space<hbm>> -> memref<1x50000xf32, #tpu.memory_space<hbm>>
      %dma_wait3A_56 = tpu.memref_squeeze %dma_wait3A_55 : memref<1x50000xf32, #tpu.memory_space<hbm>> -> memref<50000xf32, #tpu.memory_space<hbm>>
      tpu.wait_dma2 semaphore(%arg9 : memref<!tpu.dma_semaphore, #tpu.memory_space<semaphore_mem>>) src(%dma_wait3A_56 : memref<50000xf32, #tpu.memory_space<hbm>>) dst(%arg6 : memref<50000xf32, #tpu.memory_space<vmem>>)
      %scan3A = arith.constant 0 : i32
      %scan3A_57 = arith.constant 0 : i32
      %scan3A_58 = arith.constant 256 : i32
      %scan3A_59 = arith.addi %scan3A_57, %scan3A_58 : i32
      %scan3A_60 = arith.constant 1 : i32
      %scan3A_61 = scf.for %scan3A_84 = %scan3A_57 to %scan3A_59 step %scan3A_60 iter_args(%scan3A_85 = %scan3A) -> (i32)  : i32 {
        %mul3A_86 = arith.constant 16 : i32
        %mul3A_87 = arith.muli %scan3A_84, %mul3A_86 : i32
        %get3A = arith.index_cast %mul3A_87 : i32 to index
        %get3A_88 = tpu.vector_load %arg5[%get3A] {strides = array<i32>} : memref<4096xi32, #tpu.memory_space<vmem>>, vector<16xi32>,
        %gather3A = tpu.vector_load_idx %arg6[%get3A_88] : memref<50000xf32, #tpu.memory_space<vmem>>[vector<16xi32>], vector<16xf32>,
        %mul3A_89 = arith.constant 16 : i32
        %mul3A_90 = arith.muli %scan3A_84, %mul3A_89 : i32
        %swap3A = arith.index_cast %mul3A_90 : i32 to index
        %swap3A_91 = tpu.vector_load %arg8[%swap3A] {strides = array<i32>} : memref<4096xf32, #tpu.memory_space<vmem>>, vector<16xf32>,
        tpu.vector_store %arg8[%swap3A], %gather3A {strides = array<i32>} : memref<4096xf32, #tpu.memory_space<vmem>>, vector<16xf32>,
        %scan3A_92 = arith.constant 0 : i32
        scf.yield %scan3A_92 : i32
      }
      %scan3A_62 = arith.constant 256 : i32
      "tpu.region"() ({
        %run_scoped3A = tpu.sem_alloc : memref<!tpu.dma_semaphore, #tpu.memory_space<semaphore_mem>>
        %dma_start3A_84 = arith.constant 0 : i32
        %dma_start3A_85 = tpu.memref_slice %arg4[%add3A_43, %dma_start3A_84] : memref<1000x4096xf32, #tpu.memory_space<hbm>> -> memref<1x4096xf32, #tpu.memory_space<hbm>>
        %dma_start3A_86 = tpu.memref_squeeze %dma_start3A_85 : memref<1x4096xf32, #tpu.memory_space<hbm>> -> memref<4096xf32, #tpu.memory_space<hbm>>
        %dma_start3A_87 = arith.constant 0 : i32
        %dma_start3A_88 = tpu.memref_slice %arg4[%add3A_43, %dma_start3A_87] : memref<1000x4096xf32, #tpu.memory_space<hbm>> -> memref<1x4096xf32, #tpu.memory_space<hbm>>
        %dma_start3A_89 = tpu.memref_squeeze %dma_start3A_88 : memref<1x4096xf32, #tpu.memory_space<hbm>> -> memref<4096xf32, #tpu.memory_space<hbm>>
        tpu.enqueue_dma source(%arg8 : memref<4096xf32, #tpu.memory_space<vmem>>) target(%dma_start3A_89 : memref<4096xf32, #tpu.memory_space<hbm>>) target_semaphore(%run_scoped3A : memref<!tpu.dma_semaphore, #tpu.memory_space<semaphore_mem>>)
        %dma_wait3A_90 = arith.constant 0 : i32
        %dma_wait3A_91 = tpu.memref_slice %arg4[%add3A_43, %dma_wait3A_90] : memref<1000x4096xf32, #tpu.memory_space<hbm>> -> memref<1x4096xf32, #tpu.memory_space<hbm>>
        %dma_wait3A_92 = tpu.memref_squeeze %dma_wait3A_91 : memref<1x4096xf32, #tpu.memory_space<hbm>> -> memref<4096xf32, #tpu.memory_space<hbm>>
        %dma_wait3A_93 = arith.constant 0 : i32
        %dma_wait3A_94 = tpu.memref_slice %arg4[%add3A_43, %dma_wait3A_93] : memref<1000x4096xf32, #tpu.memory_space<hbm>> -> memref<1x4096xf32, #tpu.memory_space<hbm>>
        %dma_wait3A_95 = tpu.memref_squeeze %dma_wait3A_94 : memref<1x4096xf32, #tpu.memory_space<hbm>> -> memref<4096xf32, #tpu.memory_space<hbm>>
        tpu.wait_dma2 semaphore(%run_scoped3A : memref<!tpu.dma_semaphore, #tpu.memory_space<semaphore_mem>>) src(%arg8 : memref<4096xf32, #tpu.memory_space<vmem>>) dst(%dma_wait3A_95 : memref<4096xf32, #tpu.memory_space<hbm>>)
        tpu.yield
      }) : () -> ()
      %add3A_63 = arith.constant 2 : i32
      %add3A_64 = arith.addi %add3A_43, %add3A_63 : i32
      %lt3A = arith.cmpi slt, %add3A_64, %min3A_5 : i32
      %convert_element_type3A = arith.extui %lt3A : i1 to i32
      %cond3A = arith.constant 0 : i32
      %cond3A_65 = arith.cmpi ne, %convert_element_type3A, %cond3A : i32
      scf.if %cond3A_65 {
        %add3A_84 = arith.constant 2 : i32
        %add3A_85 = arith.addi %add3A_43, %add3A_84 : i32
        %dma_start3A_86 = arith.constant 0 : i32
        %dma_start3A_87 = tpu.memref_slice %arg2[%add3A_85, %dma_start3A_86] : memref<1000x50000xf32, #tpu.memory_space<hbm>> -> memref<1x50000xf32, #tpu.memory_space<hbm>>
        %dma_start3A_88 = tpu.memref_squeeze %dma_start3A_87 : memref<1x50000xf32, #tpu.memory_space<hbm>> -> memref<50000xf32, #tpu.memory_space<hbm>>
        %dma_start3A_89 = arith.constant 0 : i32
        %dma_start3A_90 = tpu.memref_slice %arg2[%add3A_85, %dma_start3A_89] : memref<1000x50000xf32, #tpu.memory_space<hbm>> -> memref<1x50000xf32, #tpu.memory_space<hbm>>
        %dma_start3A_91 = tpu.memref_squeeze %dma_start3A_90 : memref<1x50000xf32, #tpu.memory_space<hbm>> -> memref<50000xf32, #tpu.memory_space<hbm>>
        tpu.enqueue_dma source(%dma_start3A_91 : memref<50000xf32, #tpu.memory_space<hbm>>) target(%arg6 : memref<50000xf32, #tpu.memory_space<vmem>>) target_semaphore(%arg9 : memref<!tpu.dma_semaphore, #tpu.memory_space<semaphore_mem>>)
      } else {
      }
      %add3A_66 = arith.constant 1 : i32
      %add3A_67 = arith.addi %add3A_43, %add3A_66 : i32
      %dma_wait3A_68 = arith.constant 0 : i32
      %dma_wait3A_69 = tpu.memref_slice %arg2[%add3A_67, %dma_wait3A_68] : memref<1000x50000xf32, #tpu.memory_space<hbm>> -> memref<1x50000xf32, #tpu.memory_space<hbm>>
      %dma_wait3A_70 = tpu.memref_squeeze %dma_wait3A_69 : memref<1x50000xf32, #tpu.memory_space<hbm>> -> memref<50000xf32, #tpu.memory_space<hbm>>
      %dma_wait3A_71 = arith.constant 0 : i32
      %dma_wait3A_72 = tpu.memref_slice %arg2[%add3A_67, %dma_wait3A_71] : memref<1000x50000xf32, #tpu.memory_space<hbm>> -> memref<1x50000xf32, #tpu.memory_space<hbm>>
      %dma_wait3A_73 = tpu.memref_squeeze %dma_wait3A_72 : memref<1x50000xf32, #tpu.memory_space<hbm>> -> memref<50000xf32, #tpu.memory_space<hbm>>
      tpu.wait_dma2 semaphore(%arg10 : memref<!tpu.dma_semaphore, #tpu.memory_space<semaphore_mem>>) src(%dma_wait3A_73 : memref<50000xf32, #tpu.memory_space<hbm>>) dst(%arg7 : memref<50000xf32, #tpu.memory_space<vmem>>)
      %add3A_74 = arith.constant 1 : i32
      %add3A_75 = arith.addi %add3A_43, %add3A_74 : i32
      %scan3A_76 = arith.constant 0 : i32
      %scan3A_77 = arith.constant 0 : i32
      %scan3A_78 = arith.constant 256 : i32
      %scan3A_79 = arith.addi %scan3A_77, %scan3A_78 : i32
      %scan3A_80 = arith.constant 1 : i32
      %scan3A_81 = scf.for %scan3A_84 = %scan3A_77 to %scan3A_79 step %scan3A_80 iter_args(%scan3A_85 = %scan3A_76) -> (i32)  : i32 {
        %mul3A_86 = arith.constant 16 : i32
        %mul3A_87 = arith.muli %scan3A_84, %mul3A_86 : i32
        %get3A = arith.index_cast %mul3A_87 : i32 to index
        %get3A_88 = tpu.vector_load %arg5[%get3A] {strides = array<i32>} : memref<4096xi32, #tpu.memory_space<vmem>>, vector<16xi32>,
        %gather3A = tpu.vector_load_idx %arg7[%get3A_88] : memref<50000xf32, #tpu.memory_space<vmem>>[vector<16xi32>], vector<16xf32>,
        %mul3A_89 = arith.constant 16 : i32
        %mul3A_90 = arith.muli %scan3A_84, %mul3A_89 : i32
        %swap3A = arith.index_cast %mul3A_90 : i32 to index
        %swap3A_91 = tpu.vector_load %arg8[%swap3A] {strides = array<i32>} : memref<4096xf32, #tpu.memory_space<vmem>>, vector<16xf32>,
        tpu.vector_store %arg8[%swap3A], %gather3A {strides = array<i32>} : memref<4096xf32, #tpu.memory_space<vmem>>, vector<16xf32>,
        %scan3A_92 = arith.constant 0 : i32
        scf.yield %scan3A_92 : i32
      }
      %scan3A_82 = arith.constant 256 : i32
      "tpu.region"() ({
        %run_scoped3A = tpu.sem_alloc : memref<!tpu.dma_semaphore, #tpu.memory_space<semaphore_mem>>
        %dma_start3A_84 = arith.constant 0 : i32
        %dma_start3A_85 = tpu.memref_slice %arg4[%add3A_75, %dma_start3A_84] : memref<1000x4096xf32, #tpu.memory_space<hbm>> -> memref<1x4096xf32, #tpu.memory_space<hbm>>
        %dma_start3A_86 = tpu.memref_squeeze %dma_start3A_85 : memref<1x4096xf32, #tpu.memory_space<hbm>> -> memref<4096xf32, #tpu.memory_space<hbm>>
        %dma_start3A_87 = arith.constant 0 : i32
        %dma_start3A_88 = tpu.memref_slice %arg4[%add3A_75, %dma_start3A_87] : memref<1000x4096xf32, #tpu.memory_space<hbm>> -> memref<1x4096xf32, #tpu.memory_space<hbm>>
        %dma_start3A_89 = tpu.memref_squeeze %dma_start3A_88 : memref<1x4096xf32, #tpu.memory_space<hbm>> -> memref<4096xf32, #tpu.memory_space<hbm>>
        tpu.enqueue_dma source(%arg8 : memref<4096xf32, #tpu.memory_space<vmem>>) target(%dma_start3A_89 : memref<4096xf32, #tpu.memory_space<hbm>>) target_semaphore(%run_scoped3A : memref<!tpu.dma_semaphore, #tpu.memory_space<semaphore_mem>>)
        %dma_wait3A_90 = arith.constant 0 : i32
        %dma_wait3A_91 = tpu.memref_slice %arg4[%add3A_75, %dma_wait3A_90] : memref<1000x4096xf32, #tpu.memory_space<hbm>> -> memref<1x4096xf32, #tpu.memory_space<hbm>>
        %dma_wait3A_92 = tpu.memref_squeeze %dma_wait3A_91 : memref<1x4096xf32, #tpu.memory_space<hbm>> -> memref<4096xf32, #tpu.memory_space<hbm>>
        %dma_wait3A_93 = arith.constant 0 : i32
        %dma_wait3A_94 = tpu.memref_slice %arg4[%add3A_75, %dma_wait3A_93] : memref<1000x4096xf32, #tpu.memory_space<hbm>> -> memref<1x4096xf32, #tpu.memory_space<hbm>>
        %dma_wait3A_95 = tpu.memref_squeeze %dma_wait3A_94 : memref<1x4096xf32, #tpu.memory_space<hbm>> -> memref<4096xf32, #tpu.memory_space<hbm>>
        tpu.wait_dma2 semaphore(%run_scoped3A : memref<!tpu.dma_semaphore, #tpu.memory_space<semaphore_mem>>) src(%arg8 : memref<4096xf32, #tpu.memory_space<vmem>>) dst(%dma_wait3A_95 : memref<4096xf32, #tpu.memory_space<hbm>>)
        tpu.yield
      }) : () -> ()
      %while3A_83 = arith.constant 0 : i32
      scf.yield %while3A_83 : i32
    }
    return
  }
}

module attributes {stable_mosaic.version = 14 : i64} {
  func.func @_loss_body(%arg0: i32, %arg1: memref<1000x512xf32, #tpu.memory_space<vmem>>, %arg2: memref<1000x512xf32, #tpu.memory_space<vmem>>, %arg3: memref<1x512xi32, #tpu.memory_space<vmem>>, %arg4: memref<1x1xf32, #tpu.memory_space<vmem>>) attributes {dimension_semantics = [#tpu.dimension_semantics<arbitrary>], iteration_bounds = array<i64: 8>, scalar_prefetch = 0 : i64, scratch_operands = 0 : i64, tpu.core_type = #tpu.core_type<tc>, window_params = [{transform_indices = @transform_0, window_bounds = array<i64: 1000, 512>}, {transform_indices = @transform_1, window_bounds = array<i64: 1000, 512>}, {transform_indices = @transform_2, window_bounds = array<i64: 1, 512>}, {pipeline_mode = #tpu.pipeline_mode<synchronous>, transform_indices = @transform_3, window_bounds = array<i64: 1, 1>}]} {
    %get3A = arith.constant 0 : index
    %get3A_0 = arith.constant 0 : index
    %get3A_1 = vector.load %arg1[%get3A, %get3A_0] : memref<1000x512xf32, #tpu.memory_space<vmem>>, vector<1000x512xf32>
    %reduce_max3A = arith.constant dense<0xFF800000> : vector<512xf32>
    %reduce_max3A_2 = vector.multi_reduction <maximumf>, %get3A_1, %reduce_max3A [0] : vector<1000x512xf32> to vector<512xf32>
    %broadcast_in_dim3A = vector.shape_cast %reduce_max3A_2 : vector<512xf32> to vector<1x512xf32>
    %sub3A = vector.broadcast %broadcast_in_dim3A : vector<1x512xf32> to vector<1000x512xf32>
    %sub3A_3 = arith.subf %get3A_1, %sub3A : vector<1000x512xf32>
    %exp3A = math.exp %sub3A_3 : vector<1000x512xf32>
    %reduce_sum3A = arith.constant dense<0.000000e+00> : vector<512xf32>
    %reduce_sum3A_4 = vector.multi_reduction <add>, %exp3A, %reduce_sum3A [0] : vector<1000x512xf32> to vector<512xf32>
    %broadcast_in_dim3A_5 = vector.shape_cast %reduce_sum3A_4 : vector<512xf32> to vector<1x512xf32>
    %div3A = vector.broadcast %broadcast_in_dim3A_5 : vector<1x512xf32> to vector<1000x512xf32>
    %div3A_6 = arith.divf %exp3A, %div3A : vector<1000x512xf32>
    %jit3A = arith.constant 9.99999974E-5 : f32
    %jit3A_7 = arith.constant 0.999899983 : f32
    %max3A = vector.broadcast %jit3A : f32 to vector<1000x512xf32>
    %max3A_8 = arith.maximumf %max3A, %div3A_6 : vector<1000x512xf32>
    %min3A = vector.broadcast %jit3A_7 : f32 to vector<1000x512xf32>
    %min3A_9 = arith.minimumf %min3A, %max3A_8 : vector<1000x512xf32>
    %reduce_sum3A_10 = arith.constant dense<0.000000e+00> : vector<512xf32>
    %reduce_sum3A_11 = vector.multi_reduction <add>, %min3A_9, %reduce_sum3A_10 [0] : vector<1000x512xf32> to vector<512xf32>
    %broadcast_in_dim3A_12 = vector.shape_cast %reduce_sum3A_11 : vector<512xf32> to vector<1x512xf32>
    %mul3A = arith.mulf %min3A_9, %min3A_9 : vector<1000x512xf32>
    %reduce_sum3A_13 = arith.constant dense<0.000000e+00> : vector<512xf32>
    %reduce_sum3A_14 = vector.multi_reduction <add>, %mul3A, %reduce_sum3A_13 [0] : vector<1000x512xf32> to vector<512xf32>
    %broadcast_in_dim3A_15 = vector.shape_cast %reduce_sum3A_14 : vector<512xf32> to vector<1x512xf32>
    %get3A_16 = arith.constant 0 : index
    %get3A_17 = arith.constant 0 : index
    %get3A_18 = vector.load %arg2[%get3A_16, %get3A_17] : memref<1000x512xf32, #tpu.memory_space<vmem>>, vector<1000x512xf32>
    %mul3A_19 = arith.mulf %get3A_18, %min3A_9 : vector<1000x512xf32>
    %reduce_sum3A_20 = arith.constant dense<0.000000e+00> : vector<512xf32>
    %reduce_sum3A_21 = vector.multi_reduction <add>, %mul3A_19, %reduce_sum3A_20 [0] : vector<1000x512xf32> to vector<512xf32>
    %broadcast_in_dim3A_22 = vector.shape_cast %reduce_sum3A_21 : vector<512xf32> to vector<1x512xf32>
    %mul3A_23 = arith.constant 3.000000e-01 : f32
    %mul3A_24 = vector.broadcast %mul3A_23 : f32 to vector<1x512xf32>
    %mul3A_25 = arith.mulf %mul3A_24, %broadcast_in_dim3A_22 : vector<1x512xf32>
    %div3A_26 = arith.divf %broadcast_in_dim3A_15, %broadcast_in_dim3A_12 : vector<1x512xf32>
    %mul3A_27 = arith.constant 0.699999988 : f32
    %mul3A_28 = vector.broadcast %mul3A_27 : f32 to vector<1x512xf32>
    %mul3A_29 = arith.mulf %mul3A_28, %div3A_26 : vector<1x512xf32>
    %add3A = arith.addf %mul3A_25, %mul3A_29 : vector<1x512xf32>
    %sub3A_30 = arith.constant 1.000000e+00 : f32
    %sub3A_31 = vector.broadcast %sub3A_30 : f32 to vector<1x512xf32>
    %sub3A_32 = arith.subf %sub3A_31, %add3A : vector<1x512xf32>
    %log3A = math.log %sub3A_32 : vector<1x512xf32>
    %get3A_33 = arith.constant 0 : index
    %get3A_34 = arith.constant 0 : index
    %get3A_35 = vector.load %arg3[%get3A_33, %get3A_34] : memref<1x512xi32, #tpu.memory_space<vmem>>, vector<1x512xi32>
    %iota3A = tpu.iota {dimensions = array<i32: 0>} : vector<1000x512xi32>
    %eq3A = vector.broadcast %get3A_35 : vector<1x512xi32> to vector<1000x512xi32>
    %eq3A_36 = arith.cmpi eq, %iota3A, %eq3A : vector<1000x512xi32>
    %jit3A_37 = arith.constant 0.000000e+00 : f32
    %broadcast_in_dim3A_38 = vector.broadcast %jit3A_37 : f32 to vector<1000x512xf32>
    %select_n3A = arith.select %eq3A_36, %get3A_1, %broadcast_in_dim3A_38 : vector<1000x512xi1>, vector<1000x512xf32>
    %reduce_sum3A_39 = arith.constant dense<0.000000e+00> : vector<512xf32>
    %reduce_sum3A_40 = vector.multi_reduction <add>, %select_n3A, %reduce_sum3A_39 [0] : vector<1000x512xf32> to vector<512xf32>
    %broadcast_in_dim3A_41 = vector.shape_cast %reduce_sum3A_40 : vector<512xf32> to vector<1x512xf32>
    %log3A_42 = math.log %broadcast_in_dim3A_5 : vector<1x512xf32>
    %add3A_43 = arith.addf %broadcast_in_dim3A, %log3A_42 : vector<1x512xf32>
    %sub3A_44 = arith.subf %broadcast_in_dim3A_41, %add3A_43 : vector<1x512xf32>
    %mul3A_45 = arith.constant 3.000000e+00 : f32
    %mul3A_46 = vector.broadcast %mul3A_45 : f32 to vector<1x512xf32>
    %mul3A_47 = arith.mulf %mul3A_46, %log3A : vector<1x512xf32>
    %sub3A_48 = arith.subf %mul3A_47, %sub3A_44 : vector<1x512xf32>
    %reduce_sum3A_49 = vector.shape_cast %sub3A_48 : vector<1x512xf32> to vector<1x1x512xf32>
    %reduce_sum3A_50 = arith.constant dense<0.000000e+00> : vector<1xf32>
    %reduce_sum3A_51 = vector.multi_reduction <add>, %reduce_sum3A_49, %reduce_sum3A_50 [1, 2] : vector<1x1x512xf32> to vector<1xf32>
    %reduce_sum3A_52 = vector.shape_cast %reduce_sum3A_51 : vector<1xf32> to vector<1x1x1xf32>
    %reduce_sum3A_53 = vector.extract %reduce_sum3A_52[0, 0, 0] : f32 from vector<1x1x1xf32>
    %broadcast_in_dim3A_54 = vector.broadcast %reduce_sum3A_53 : f32 to vector<1x1xf32>
    %eq3A_55 = arith.constant 0 : i32
    %eq3A_56 = arith.cmpi eq, %arg0, %eq3A_55 : i32
    %convert_element_type3A = arith.extui %eq3A_56 : i1 to i32
    %cond3A = arith.constant 0 : i32
    %cond3A_57 = arith.cmpi ne, %convert_element_type3A, %cond3A : i32
    scf.if %cond3A_57 {
      %broadcast_in_dim3A_69 = arith.constant 0.000000e+00 : f32
      %broadcast_in_dim3A_70 = vector.broadcast %broadcast_in_dim3A_69 : f32 to vector<1x1xf32>
      %swap3A_71 = arith.constant 0 : index
      %swap3A_72 = arith.constant 0 : index
      %swap3A_73 = vector.load %arg4[%swap3A_71, %swap3A_72] : memref<1x1xf32, #tpu.memory_space<vmem>>, vector<1x1xf32>
      tpu.vector_store %arg4[%swap3A_71, %swap3A_72], %broadcast_in_dim3A_70 {strides = array<i32>} : memref<1x1xf32, #tpu.memory_space<vmem>>, vector<1x1xf32>,
    } else {
    }
    %get3A_58 = arith.constant 0 : index
    %get3A_59 = arith.constant 0 : index
    %get3A_60 = vector.load %arg4[%get3A_58, %get3A_59] : memref<1x1xf32, #tpu.memory_space<vmem>>, vector<1x1xf32>
    %add3A_61 = arith.addf %get3A_60, %broadcast_in_dim3A_54 : vector<1x1xf32>
    %swap3A = arith.constant 0 : index
    %swap3A_62 = arith.constant 0 : index
    %swap3A_63 = vector.load %arg4[%swap3A, %swap3A_62] : memref<1x1xf32, #tpu.memory_space<vmem>>, vector<1x1xf32>
    tpu.vector_store %arg4[%swap3A, %swap3A_62], %add3A_61 {strides = array<i32>} : memref<1x1xf32, #tpu.memory_space<vmem>>, vector<1x1xf32>,
    %eq3A_64 = arith.constant 7 : i32
    %eq3A_65 = arith.cmpi eq, %arg0, %eq3A_64 : i32
    %convert_element_type3A_66 = arith.extui %eq3A_65 : i1 to i32
    %cond3A_67 = arith.constant 0 : i32
    %cond3A_68 = arith.cmpi ne, %convert_element_type3A_66, %cond3A_67 : i32
    scf.if %cond3A_68 {
      %get3A_69 = arith.constant 0 : index
      %get3A_70 = arith.constant 0 : index
      %get3A_71 = vector.load %arg4[%get3A_69, %get3A_70] : memref<1x1xf32, #tpu.memory_space<vmem>>, vector<1x1xf32>
      %mul3A_72 = arith.constant 2.44140625E-4 : f32
      %mul3A_73 = vector.broadcast %mul3A_72 : f32 to vector<1x1xf32>
      %mul3A_74 = arith.mulf %get3A_71, %mul3A_73 : vector<1x1xf32>
      %swap3A_75 = arith.constant 0 : index
      %swap3A_76 = arith.constant 0 : index
      %swap3A_77 = vector.load %arg4[%swap3A_75, %swap3A_76] : memref<1x1xf32, #tpu.memory_space<vmem>>, vector<1x1xf32>
      tpu.vector_store %arg4[%swap3A_75, %swap3A_76], %mul3A_74 {strides = array<i32>} : memref<1x1xf32, #tpu.memory_space<vmem>>, vector<1x1xf32>,
    } else {
    }
    return
  }
  func.func @transform_0(%arg0: i32) -> (i32, i32) {
    %c0_i32 = arith.constant 0 : i32
    %c0_i32_0 = arith.constant 0 : i32
    return %c0_i32, %arg0 : i32, i32
  }
  func.func @transform_1(%arg0: i32) -> (i32, i32) {
    %c0_i32 = arith.constant 0 : i32
    %c0_i32_0 = arith.constant 0 : i32
    return %c0_i32, %arg0 : i32, i32
  }
  func.func @transform_2(%arg0: i32) -> (i32, i32) {
    %c0_i32 = arith.constant 0 : i32
    %c0_i32_0 = arith.constant 0 : i32
    return %c0_i32, %arg0 : i32, i32
  }
  func.func @transform_3(%arg0: i32) -> (i32, i32) {
    %c0_i32 = arith.constant 0 : i32
    %c0_i32_0 = arith.constant 0 : i32
    %c0_i32_1 = arith.constant 0 : i32
    return %c0_i32, %c0_i32_0 : i32, i32
  }
}

</mosaic_0001>

<sc_bundles>
// kernel: kernel.4.cloned.1.call-start
scs
__scs_entry_jumppad:
0x0: {  	(pc) =	sbr.rel $0x88, $3  }
0x1: {  	(tag) =	ssettag $0x0;
	lr =	simm.s32 $0x1  }
0x2: {  	[smem:$0x3F9D] =	sst lr;
	_ =	strace $0xD0000000  }
0x3: {  	_ = 	snop  }
0x4: {  	_ = 	snop  }
0x5: {  	_ = 	snop  }
0x6: {  	_ = 	snop  }
0x7: {  	_ = 	snop  }
__scs_overlays_trampoline_lowered:
0x8: {  	[smem:$0x3FAC] =	sst s0  }
0x9: {  	[smem:$0x3FAD] =	sst s1  }
0xa: {  	[smem:$0x3FAE] =	sst s2  }
0xb: {  	[smem:$0x3FAF] =	sst s3  }
0xc: {  	[smem:$0x3FB0] =	sst s4  }
0xd: {  	[smem:$0x3FB1] =	sst s5  }
0xe: {  	[smem:$0x3FB2] =	sst s6  }
0xf: {  	[smem:$0x3FB3] =	sst s7  }
0x10: {  	[smem:$0x3FB4] =	sst s8  }
0x11: {  	[smem:$0x3FB5] =	sst s9;
	s0 =	simm.s32 @!p0 $0x0  }
0x12: {  	s1 =	sld [smem:$0x3F9B];
	s0 =	simm.s32 @p0 $0x1  }
0x13: {  	[smem:$0x3FB6] =	sst s0;
	s0 =	simm.s32 @!p1 $0x0  }
0x14: {  	s2 =	sld [smem:$0x3F9A];
	s0 =	simm.s32 @p1 $0x1  }
0x15: {  	[smem:$0x3FB7] =	sst s0;
	s0 =	simm.s32 @!p2 $0x0  }
0x16: {  	s3 =	sld [smem:$0x3FDB];
	s0 =	simm.s32 @p2 $0x1  }
0x17: {  	s4 =	simm.s32 $0x1BF5;
	[smem:$0x3FB9] =	sst s0  }
0x18: {  	s0 =	sld [smem:$0x3F9C];
	_ =	swait.ge [sflag:s4], $0x0  }
0x19: {  	s7 =	sld [smem:$0x3F9D]  }
0x1a: {  	s8 =	sadd.s32 $0xFFFFE003, lr  }
0x1b: {  	s9 =	sadd.s32 $0xFFFFFEF7, lr;
	s5 =	simm.s32 $0xFFFFFFFF;
	p2 =	slt.u32 s8, $0xFFFFF086  }
0x1c: {  	p1 =	slt.u32 s9, $0xF7A;
	s5 =	simm.s32 @!p2 $0x0  }
0x1d: {  	s5 =	simm.s32 @p1 $0x1;
	p0 =	seq.s32 s7, s2  }
0x1e: {  	s7 =	smul.u32 @!p0 $0xF7A, s2;
	p2 =	seq.s32 @!p0 s5, $0x0  }
0x1f: {  	s9 =	smul.u32 $0xF7A, s1;
	s8 =	simm.s32 @!p0 $0x1BF5;
	p2 =	por !p2, p0  }
0x20: {  	[sflag:s8] =	ssyncset.s32 @!p0 $0xFFFFF086;
	s6 =	sadd.s32 @!p0 s3, s7;
	s7 =	simm.s32 @!p0 $0x108  }
0x21: {  	s3 =	sadd.s32 s3, s9;
	s6 =	sadd.s32 @!p0 $0x88, s6;
	s7 =	simm.s32 @p2 $0x1082  }
0x22: {  	[simem:s7], [sflag:s8] =	dma.local @!p0 [hbm:s6], $0xF7A  }
0x23: {  	s9 =	sor.u32 $0xD0000000, s2;
	s6 =	simm.s32 $0x108;
	_ =	swait.ge @!p0 [sflag:s8], $0x0  }
0x24: {  	s3 =	sadd.s32 $0x88, s3;
	s6 =	simm.s32 @!p1 $0x1082;
	[sflag:s4] =	ssyncset.s32 $0xFFFFF086  }
0x25: {  	[simem:s6], [sflag:s4] =	dma.local [hbm:s3], $0xF7A  }
0x26: {  	[smem:$0x3F9D] =	sst s1;
	(tag) =	ssettag s2;
	_ =	strace s9  }
0x27: {  	s1 =	sld [smem:$0x3FAD]  }
0x28: {  	s2 =	sld [smem:$0x3FAE]  }
0x29: {  	s4 =	sld [smem:$0x3FB0]  }
0x2a: {  	p0 =	seq.s32 s5, $0x0;
	s5 =	sld [smem:$0x3FB1]  }
0x2b: {  	s6 =	sld [smem:$0x3FB2]  }
0x2c: {  	s7 =	sld [smem:$0x3FB3]  }
0x2d: {  	s3 =	simm.s32 $0x108;
	s8 =	sld [smem:$0x3FB4]  }
0x2e: {  	s3 =	simm.s32 @!p0 $0x1082;
	s9 =	sld [smem:$0x3FB5]  }
0x2f: {  	lr =	sadd.s32 s0, s3;
	s0 =	sld [smem:$0x3FAC]  }
0x30: {  	s3 =	sld [smem:$0x3FAF]  }
0x31: {  	[smem:$0x3FB8] =	sst s10  }
0x32: {  	s10 =	sld [smem:$0x3FB6];
	_ =	sdelay $0x3  }
0x33: {  	p0 =	seq.s32 s10, $0x1;
	s10 =	sld [smem:$0x3FB8];
	_ =	sdelay $0x3  }
0x34: {  	[smem:$0x3FB8] =	sst s10  }
0x35: {  	s10 =	sld [smem:$0x3FB7];
	_ =	sdelay $0x3  }
0x36: {  	p1 =	seq.s32 s10, $0x1;
	s10 =	sld [smem:$0x3FB8];
	_ =	sdelay $0x3  }
0x37: {  	[smem:$0x3FB8] =	sst s10  }
0x38: {  	s10 =	sld [smem:$0x3FB9]  }
0x39: {  	_ = 	snop;
	(pc) =	sbr.ind lr, $3  }
0x3a: {  	_ = 	snop  }
0x3b: {  	_ = 	snop  }
0x3c: {  	p2 =	seq.s32 s10, $0x1;
	s10 =	sld [smem:$0x3FB8]  }
0x3d: {  	_ =	shalt  }
0x3e: {  	_ =	shalt  }
0x3f: {  	_ =	shalt  }
0x40: {  	_ =	shalt  }
0x41: {  	_ =	shalt  }
0x42: {  	_ =	shalt  }
0x43: {  	_ =	shalt  }
0x44: {  	_ =	shalt  }
0x45: {  	_ =	shalt  }
0x46: {  	_ =	shalt  }
0x47: {  	_ =	shalt  }
0x48: {  	_ =	shalt  }
0x49: {  	_ =	shalt  }
0x4a: {  	_ =	shalt  }
0x4b: {  	_ =	shalt  }
0x4c: {  	_ =	shalt  }
0x4d: {  	_ =	shalt  }
0x4e: {  	_ =	shalt  }
0x4f: {  	_ =	shalt  }
0x50: {  	_ =	shalt  }
0x51: {  	_ =	shalt  }
0x52: {  	_ =	shalt  }
0x53: {  	_ =	shalt  }
0x54: {  	_ =	shalt  }
0x55: {  	_ =	shalt  }
0x56: {  	_ =	shalt  }
0x57: {  	_ =	shalt  }
0x58: {  	_ =	shalt  }
0x59: {  	_ =	shalt  }
0x5a: {  	_ =	shalt  }
0x5b: {  	_ =	shalt  }
0x5c: {  	_ =	shalt  }
0x5d: {  	_ =	shalt  }
0x5e: {  	_ =	shalt  }
0x5f: {  	_ =	shalt  }
0x60: {  	_ =	shalt  }
0x61: {  	_ =	shalt  }
0x62: {  	_ =	shalt  }
0x63: {  	_ =	shalt  }
0x64: {  	_ =	shalt  }
0x65: {  	_ =	shalt  }
0x66: {  	_ =	shalt  }
0x67: {  	_ =	shalt  }
0x68: {  	_ =	shalt  }
0x69: {  	_ =	shalt  }
0x6a: {  	_ =	shalt  }
0x6b: {  	_ =	shalt  }
0x6c: {  	_ =	shalt  }
0x6d: {  	_ =	shalt  }
0x6e: {  	_ =	shalt  }
0x6f: {  	_ =	shalt  }
0x70: {  	_ =	shalt  }
0x71: {  	_ =	shalt  }
0x72: {  	_ =	shalt  }
0x73: {  	_ =	shalt  }
0x74: {  	_ =	shalt  }
0x75: {  	_ =	shalt  }
0x76: {  	_ =	shalt  }
0x77: {  	_ =	shalt  }
0x78: {  	_ =	shalt  }
0x79: {  	_ =	shalt  }
0x7a: {  	_ =	shalt  }
0x7b: {  	_ =	shalt  }
0x7c: {  	_ =	shalt  }
0x7d: {  	_ =	shalt  }
0x7e: {  	_ =	shalt  }
0x7f: {  	_ =	shalt  }
0x80: {  	_ =	shalt  }
0x81: {  	_ =	shalt  }
0x82: {  	_ =	shalt  }
0x83: {  	_ =	shalt  }
0x84: {  	_ =	shalt  }
0x85: {  	_ =	shalt  }
0x86: {  	_ =	shalt  }
0x87: {  	_ =	shalt  }
.Lfunc_end0:
.L_simem_size_0:
called_computation_lowered:
.L_overlay_start_0:
0x88: {  	s2 =	sld [smem:$0x3FD9]  }
0x89: {  	s3 =	sld [smem:$0x3FFE];
	_ =	sdelay $0x1  }
0x8a: {  	s1 =	srdreg.scid  }
0x8b: {  	s0 =	sand.u32 $0x1, s1  }
0x8c: {  	s17 =	sshll.u32 s0, $0xA;
	s2 =	sadd.s32 s3, s2  }
0x8d: {  	s2 =	sadd.s32 s2, s17  }
0x8e: {  	[smem:$0x3FC4] =	sst s2  }
0x8f: {  	_ = 	snop  }
0x90: {  	s2 =	sld [smem:$0x3FC9]  }
0x91: {  	s18 =	sld [smem:$0x3FC6];
	(tm) =	ssettm $0x1  }
0x92: {  	s4 =	sld [smem:$0x3FFB];
	_ =	sdelay $0x3  }
0x93: {  	_ =	strace s4  }
0x94: {  	s4 =	sld [smem:$0x3FFC];
	_ =	sdelay $0x3  }
0x95: {  	_ =	strace s4  }
0x96: {  	s4 =	sld [smem:$0x3FFD];
	_ =	sdelay $0x3  }
0x97: {  	_ =	strace s4  }
0x98: {  	_ =	strace $0x8FFFFFFF  }
0x99: {  	s19 =	sld [smem:$0x3FDB];
	_ =	sdelay $0x1  }
0x9a: {  	s5 =	simm.s32 $_scs_section_size  }
0x9b: {  	s6 =	simm.s32 $_size__tile_overlayer_lowered;
	s7 =	simm.s32 $_tile_overlayer_lowered  }
0x9c: {  	s22 =	simm.s32 $0x1BFF;
	s21 =	sshll.u32 s7, $0x1;
	s4 =	sadd.s32 s5, s19  }
0x9d: {  	s8 =	simm.s32 $0x0;
	s20 =	sshll.u32 s6, $0x1;
	s6 =	sadd.s32 s21, s4  }
0x9e: {  	[timem:s8], [sflag:s22] =	dma.local [hbm:s6], s20  }
0x9f: {  	_ =	swait.ge [sflag:s22], s20  }
0xa0: {  	s5 =	ssub.s32 $0x0, s20;
	[sflag:s22] =	ssyncset.done $0x0  }
0xa1: {  	[sflag:s22] =	ssyncadd.s32 s5;
	_ =	sdelay $0x1  }
0xa2: {  	s23 =	simm.s32 $0x1B8B  }
0xa3: {  	_ =	swait.ge [sflag:s23], $0x1  }
0xa4: {  	[sflag:s23] =	ssyncset.done $0x0  }
0xa5: {  	s25 =	simm.s32 $0x1B8E;
	s24 =	sld [smem:$0x3FFE];
	[sflag:s23] =	ssyncadd.s32 $0xFFFFFFFF  }
0xa6: {  	s26 =	simm.s32 $execute0_lowered;
	[smem:$0x3FD2] =	sst s25  }
0xa7: {  	s6 =	sshll.u32 s26, $0x1;
	_ =	strace $0x80000046;
	[dreg:$0x1] =	wrdreg $0xFFFFFFFF  }
0xa8: {  	s28 =	simm.s32 $_size_execute0_lowered;
	s4 =	sadd.s32 s4, s6;
	[dreg:$0x0] =	wrdreg $0x0  }
0xa9: {  	s6 =	sshll.u32 s28, $0x1;
	[dreg:$0x2] =	wrdreg s4  }
0xaa: {  	[dreg:$0x3] =	wrdreg s6  }
0xab: {  	[dreg:$0x4] =	wrdreg $0xC0  }
0xac: {  	_ =	task [dreg:s8], $0x5FFFF  }
0xad: {  	[dreg:$0x1] =	wrdreg $0xFFFFFFFF  }
0xae: {  	[dreg:$0x0] =	wrdreg $0x60  }
0xaf: {  	[dreg:$0x2] =	wrdreg s18  }
0xb0: {  	[dreg:$0x3] =	wrdreg s2  }
0xb1: {  	[dreg:$0x4] =	wrdreg s24  }
0xb2: {  	[dreg:$0x5] =	wrdreg $0x9  }
0xb3: {  	_ =	task.clear_ibuf [dreg:s8], $0x6FFFF;
	_ =	strace $0x90000046  }
0xb4: {  	s29 =	simm.s32 $0x9;
	_ =	strace $0x80000048  }
0xb5: {  	_ =	swait.ge [sflag:s29], $0x1  }
0xb6: {  	[sflag:s29] =	ssyncadd.s32 $0xFFFFFFFF  }
0xb7: {  	_ =	strace $0x90000048  }
0xb8: {  	_ =	sfence  }
0xb9: {  	s30 =	sld [smem:$0x0];
	_ =	sdelay $0x2  }
0xba: {  	s31 =	sshll.u32 s1, $0xD;
	s1 =	sshrl.u32 s1, $0x2  }
0xbb: {  	s3 =	sand.u32 $0x4000, s31;
	s1 =	sadd.s32 s1, s30  }
0xbc: {  	s0 =	sor.u32 s3, s0;
	s1 =	sshll.u32 s1, $0x11  }
0xbd: {  	s0 =	sor.u32 s1, s0  }
0xbe: {  	s0 =	sadd.s32 $0x8F2B, s0  }
0xbf: {  	[sflag:s0] =	ssyncadd.remote.s32 $0x1  }
0xc0: {  	_ =	sfence.sel $0xFFFF  }
0xc1: {  	[dreg:$0x0] =	wrdreg $0xFFFFFFFF;
	(pc) =	sbr.abs _section_cstart, $3  }
0xc2: {  	[dreg:$0x1] =	wrdreg $0xFFFFFFFF  }
0xc3: {  	_ =	task.clear_ibuf [dreg:s8], $0x2FFFF;
	_ =	strace $0x9FFFFFFF  }
0xc4: {  	(tm) =	ssettm $0x7FFFFFFF  }
0xc5: {  	_ =	shalt  }
tec
execute0_lowered:
.L_overlay_start_1:
0x0: {  	(tag) =	ssettag $0x1  }
0x1: {  	s1 =	rddreg [dreg:$0x0]  }
0x2: {  	s3 =	rddreg [dreg:$0x1]  }
0x3: {  	s7 =	rddreg [dreg:$0x2];
	s4 =	srdreg.scid  }
0x4: {  	s0 =	rddreg [dreg:$0x3];
	s2 =	stileid.u32  }
0x5: {  	s12 =	simm.s32 $0x80;
	s13 =	simm.s32 $0x400;
	s14 =	simm.s32 $0x1000  }
0x6: {  	s15 =	simm.s32 $0xD380;
	s16 =	simm.s32 $0x1;
	s17 =	simm.s32 $0x19700  }
0x7: {  	s18 =	simm.s32 $0x2;
	s19 =	simm.s32 $0x0;
	s6 =	sand.u32 $0x1, s4  }
0x8: {  	s4 =	simm.s32 $0x0;
	s5 =	sshll.u32 s2, $0x6;
	s8 =	sshll.u32 s6, $0x5  }
0x9: {  	s7 =	sadd.s32 $0x800, s7;
	[smem:$0x7FF] =	sst s4;
	s5 =	sor.u32 s8, s5  }
.Ltmp0:
0xa: {  	s9 =	ssub.s32 $0x2, s6;
	s8 =	smin.u32 s5, $0x3C8;
	(pc) =	sbr.rel .LBB2_1-.Ltmp0, $4  }
0xb: {  	s10 =	sshrl.u32 s9, $0x1;
	s30 =	sshrl.u32 s5, $0x3;
	s6 =	sadd.s32 $0x20, s8  }
0xc: {  	s10 =	ssub.s32 s9, s10;
	s11 =	smul.u32 $0xC380, s30;
	s31 =	ssub.s32 s6, s5  }
0xd: {  	_ =	strace $0x80000047;
	s10 =	smax.u32 s10, $0x1;
	s8 =	sshra.s32 s31, $0x1  }
0xe: {  	s9 =	sadd.s32 s1, s11;
	s11 =	simm.s32 $0x3;
	p0 =	slt.s32 s8, $0x1  }
.LBB2_7:
0xf: {  	s19 =	sadd.s32 $0x1, s19  }
0x10: {  	p1 =	sne.s32 s19, s10  }
.Ltmp1:
0x11: {  	_ = 	snop;
	(pc) =	sbr.rel @!p1 .LBB2_8-.Ltmp1, $1  }
0x12: {  	_ =	sdelay $0x3  }
.LBB2_1:
0x13: {  	[tilespmem:s4], [sflag:$0x3] =	stream.linear.gather [hbm4b:s3+s4], $0x1000, $0x38;
	[tilespmem:$0x1A700] =	vst v63  }
.Ltmp2:
0x14: {  	_ = 	snop;
	(pc) =	sbr.rel @p0 .LBB2_7-.Ltmp2, $4  }
0x15: {  	_ =	swait.ge [sflag:s11], $0x1000  }
0x16: {  	[sflag:s11] =	ssyncset.done $0x0  }
0x17: {  	s20 =	simm.s32 $0x0;
	[sflag:s11] =	ssyncadd.s32 $0xFFFFF000  }
0x18: {  	[tilespmem:s14], [sflag:$0x1] =	stream.strided.gather [hbm4b:s9+s12], $0xC380, s13, s12, $0x38;
	[tilespmem:$0x1A700] =	vst v63  }
.LBB2_2:
0x19: {  	s21 =	sshll.u32 s20, $0x1  }
0x1a: {  	s23 =	sadd.s32 s5, s21  }
0x1b: {  	s22 =	sshll.u32 s20, $0x8;
	s21 =	sshrl.u32 s23, $0x3  }
0x1c: {  	s24 =	sand.u32 $0x300, s22;
	s25 =	smul.u32 $0x61C00, s21  }
0x1d: {  	s22 =	sor.u32 $0x80, s24  }
0x1e: {  	s25 =	sor.u32 s22, s25  }
0x1f: {  	s25 =	sshrl.u32 s25, $0x3  }
0x20: {  	s25 =	sadd.s32 s1, s25  }
0x21: {  	[tilespmem:s15], [sflag:$0x2] =	stream.strided.gather [hbm4b:s25+s12], $0xC380, s13, s12, $0x38;
	[tilespmem:$0x1A700] =	vst v63  }
0x22: {  	_ =	swait.ge [sflag:s16], $0xC380  }
0x23: {  	[sflag:s16] =	ssyncset.done $0x0  }
0x24: {  	s26 =	simm.s32 $0x0;
	[sflag:s16] =	ssyncadd.s32 $0xFFFF3C80  }
0x25: {  	v0 =	vld [tilespmem:s26+$0x0];
	_ =	sdelay $0x7  }
0x26: {  	s28 =	simm.s32 $0x80;
	s25 =	simm.s32 $0x10;
	v0 =	vld.idx.msk [tilespmem:v0+s14+$0x0], $0xffff  }
.LBB2_3:
0x27: {  	p1 =	sne.s32 s28, $0x3FC0;
	v1 =	vld [tilespmem:s25+$0x0];
	_ =	sdelay $0x3  }
.Ltmp3:
0x28: {  	(pc) =	sbr.rel @p1 .LBB2_3-.Ltmp3, $2  }
0x29: {  	[tilespmem:s26+$0x19700] =	vst v0;
	s26 =	smov.u32 s25;
	_ =	sdelay $0x2  }
0x2a: {  	s25 =	sshra.s32 s28, $0x2;
	s28 =	sadd.s32 $0x40, s28;
	v0 =	vld.idx.msk [tilespmem:v1+s14+$0x0], $0xffff  }
0x2b: {  	v1 =	vld [tilespmem:s25+$0x0];
	_ =	sdelay $0x6  }
0x2c: {  	[tilespmem:s26+$0x19700] =	vst v0  }
0x2d: {  	v0 =	vld.idx.msk [tilespmem:v1+s14+$0x0], $0xffff  }
0x2e: {  	s31 =	sshll.u32 s23, $0xC  }
0x2f: {  	s26 =	sand.u32 $0xFFFF8000, s31  }
0x30: {  	s24 =	sor.u32 s24, s26  }
0x31: {  	s23 =	sadd.s32 $0x2, s23;
	s24 =	sshrl.u32 s24, $0x3  }
0x32: {  	p1 =	sge.u32 s23, s6;
	s24 =	sadd.s32 s7, s24;
	[tilespmem:s25+$0x19700] =	vst v0  }
0x33: {  	[hbm4b:s24+s12] =	stream.strided.scatter [tilespmem:s17], [sflag:$0x3], $0x1000, s13, s12, $0x38;
	[tilespmem:$0x1A700] =	vst v63  }
0x34: {  	s24 =	sshrl.u32 @!p1 s23, $0x3  }
0x35: {  	s23 =	sshll.u32 @!p1 s23, $0x7;
	s24 =	smul.u32 @!p1 $0x61C00, s24  }
0x36: {  	s23 =	sand.u32 @!p1 $0x300, s23  }
0x37: {  	s26 =	simm.s32 @!p1 $0x1000;
	_ =	swait.ge [sflag:s11], $0x1000;
	s23 =	sor.u32 @!p1 s23, s24  }
0x38: {  	s25 =	simm.s32 @!p1 $0x400;
	[sflag:s11] =	ssyncset.done $0x0;
	s23 =	sshrl.u32 @!p1 s23, $0x3  }
0x39: {  	[sflag:s11] =	ssyncadd.s32 $0xFFFFF000;
	s24 =	simm.s32 @!p1 $0x80;
	s23 =	sadd.s32 @!p1 s1, s23  }
0x3a: {  	[tilespmem:s26], [sflag:$0x1] =	stream.strided.gather @!p1 [hbm4b:s23+s24], $0xC380, s25, s24, $0x38;
	[tilespmem:$0x1A700] =	vst v63  }
0x3b: {  	_ =	swait.ge [sflag:s18], $0xC380  }
0x3c: {  	[sflag:s18] =	ssyncset.done $0x0  }
0x3d: {  	s23 =	simm.s32 $0x0;
	[sflag:s18] =	ssyncadd.s32 $0xFFFF3C80  }
0x3e: {  	v0 =	vld [tilespmem:s23+$0x0];
	_ =	sdelay $0x7  }
0x3f: {  	s24 =	simm.s32 $0x10;
	s25 =	simm.s32 $0x80;
	v0 =	vld.idx.msk [tilespmem:v0+s15+$0x0], $0xffff  }
.LBB2_5:
0x40: {  	p1 =	sne.s32 s25, $0x3FC0;
	v1 =	vld [tilespmem:s24+$0x0];
	_ =	sdelay $0x3  }
.Ltmp4:
0x41: {  	(pc) =	sbr.rel @p1 .LBB2_5-.Ltmp4, $2  }
0x42: {  	[tilespmem:s23+$0x19700] =	vst v0;
	s23 =	smov.u32 s24;
	_ =	sdelay $0x2  }
0x43: {  	s24 =	sshra.s32 s25, $0x2;
	s25 =	sadd.s32 $0x40, s25;
	v0 =	vld.idx.msk [tilespmem:v1+s15+$0x0], $0xffff  }
0x44: {  	v1 =	vld [tilespmem:s24+$0x0];
	_ =	sdelay $0x6  }
0x45: {  	[tilespmem:s23+$0x19700] =	vst v0  }
0x46: {  	v0 =	vld.idx.msk [tilespmem:v1+s15+$0x0], $0xffff;
	_ =	sdelay $0x1  }
0x47: {  	s21 =	sshll.u32 s21, $0xF  }
0x48: {  	s21 =	sor.u32 s22, s21  }
0x49: {  	s20 =	sadd.s32 $0x1, s20;
	s21 =	sshrl.u32 s21, $0x3  }
0x4a: {  	p1 =	sne.s32 s20, s8;
	s21 =	sadd.s32 s7, s21;
	[tilespmem:s24+$0x19700] =	vst v0  }
0x4b: {  	[hbm4b:s21+s12] =	stream.strided.scatter [tilespmem:s17], [sflag:$0x3], $0x1000, s13, s12, $0x38;
	[tilespmem:$0x1A700] =	vst v63  }
.Ltmp5:
0x4c: {  	_ = 	snop;
	(pc) =	sbr.rel @p1 .LBB2_2-.Ltmp5, $4  }
.Ltmp6:
0x4d: {  	_ = 	snop;
	(pc) =	sbr.rel @!p1 .LBB2_7-.Ltmp6, $4  }
0x4e: {  	_ =	swait.ge [sflag:s11], $0x1000  }
0x4f: {  	[sflag:s11] =	ssyncset.done $0x0  }
0x50: {  	[sflag:s11] =	ssyncadd.s32 $0xFFFFF000  }
0x51: {  	_ = 	snop  }
.LBB2_8:
0x52: {  	_ =	sfence.sel $0x180000  }
0x53: {  	[bflag:$0x0] =	sbarrier.arrive $0xFFFF  }
0x54: {  	p0 =	sne.s32 s2, $0x0;
	_ =	strace $0x90000047  }
0x55: {  	s0 =	sadd.s32 @!p0 $0x100000, s0;
	[bflag:$0x2] =	sbarrier.arrive $0xFFFF  }
0x56: {  	[sflag:s0] =	ssyncadd.tile.s32 @!p0 $0x1;
	_ =	shalt  }
.Lfunc_end2:
_tile_overlayer_lowered:
.L_overlay_start_2:
0x57: {  	(tag) =	ssettag $0x2  }
0x58: {  	s0 =	rddreg [dreg:$0x0];
	s2 =	stileid.u32  }
0x59: {  	s1 =	rddreg [dreg:$0x1];
	p0 =	sne.s32 s2, $0x0  }
0x5a: {  	s3 =	rddreg [dreg:$0x2];
	[bflag:$0x3] =	sbarrier.arrive $0xFFFF;
	s2 =	simm.s32 @!p0 $0x1C03  }
0x5b: {  	[timem:s3], [sflag:s2] =	dma.local @!p0 [hbm:s0], s1  }
0x5c: {  	s0 =	simm.s32 @!p0 $0x3  }
0x5d: {  	_ =	swait.ge @!p0 [sflag:s0], s1  }
0x5e: {  	s1 =	ssub.s32 @!p0 $0x0, s1;
	[sflag:s0] =	ssyncset.done @!p0 $0x0  }
0x5f: {  	[sflag:s0] =	ssyncadd.s32 @!p0 s1  }
0x60: {  	[bflag:$0x3] =	sbarrier.arrive $0xFFFF  }
0x61: {  	_ =	shalt  }

</sc_bundles>
